<compile_context>
chip_gen: v7x
topology: tpu7x:2x2x1
jax: 0.10.2.dev20260603
libtpu: 0.0.44.dev20260713+nightly
codegen_flags: <defaults>
</compile_context>

<pallas_src>
import functools

import jax
import jax.numpy as jnp
from jax import lax
from jax.experimental import pallas as pl
from jax.experimental.pallas import tpu as pltpu
from jax.experimental.pallas import tpu_sc as plsc

B, T, D = 8, 512, 64
L = 16
NBLK = D // L


def _tec_body(x_hbm, out_hbm, slab, pv_buf, pi_buf):
    cid = lax.axis_index("c")
    sid = lax.axis_index("s")
    wid = sid * 2 + cid
    b = wid // NBLK
    dcol = (wid % NBLK) * L

    pltpu.sync_copy(x_hbm.at[b, :, pl.ds(dcol, L)], slab)

    zero = jnp.zeros((L,), jnp.float32)
    neg1 = jnp.full((L,), -1, jnp.int32)

    def fwd(t, carry):
        pv, pi = carry
        v = slab[t]
        nz = v != 0.0
        pv = jnp.where(nz, v, pv)
        pi = jnp.where(nz, jnp.full((L,), t, jnp.int32), pi)
        pv_buf[t] = pv
        pi_buf[t] = pi
        return pv, pi

    lax.fori_loop(0, T, fwd, (zero, neg1), unroll=2)

    big = jnp.full((L,), T, jnp.int32)

    def bwd(k, carry):
        nv, ni = carry
        t = T - 1 - k
        v = slab[t]
        nz = v != 0.0
        nv = jnp.where(nz, v, nv)
        ni = jnp.where(nz, jnp.full((L,), t, jnp.int32), ni)
        pv = pv_buf[t]
        pi = pi_buf[t]
        n = ni - pi - 1
        i = jnp.full((L,), t, jnp.int32) - pi - 1
        denom = jnp.maximum(n - 1, 1).astype(jnp.float32)
        frac = jnp.where(n > 1, i.astype(jnp.float32) / denom, zero)
        val = pv + frac * (nv - pv)
        fill = jnp.where(pi >= 0, jnp.where(ni < T, val, v), v)
        slab[t] = jnp.where(nz, v, fill)
        return nv, ni

    lax.fori_loop(0, T, bwd, (zero, big), unroll=2)

    pltpu.sync_copy(slab, out_hbm.at[b, :, pl.ds(dcol, L)])


@jax.jit
def kernel(x_masked):
    mesh = plsc.VectorSubcoreMesh(core_axis_name="c", subcore_axis_name="s")
    run = pl.kernel(
        _tec_body,
        out_type=jax.ShapeDtypeStruct((B, T, D), jnp.float32),
        mesh=mesh,
        scratch_types=[
            pltpu.VMEM((T, L), jnp.float32),
            pltpu.VMEM((T, L), jnp.float32),
            pltpu.VMEM((T, L), jnp.int32),
        ],
        compiler_params=pltpu.CompilerParams(use_tc_tiling_on_sc=False),
    )
    return run(x_masked)

# --- scband reference (transcript-rebuilt; emitter-appended) ---
"""Pipeline reference for scband-linear-imputer-29815662968983 (READ-ONLY COPY).

The authoritative reference and input builder live on the scoring server;
editing this copy changes nothing except your own understanding.
"""

import jax, jax.numpy as jnp
import numpy as np


def setup_inputs(seed: int = 0) -> dict:
    key = jax.random.key(seed)
    k1, k2 = jax.random.split(key)
    B, T, D = 8, 512, 64
    x = jax.random.normal(k1, (B, T, D), dtype=jnp.float32)
    # inject zero runs so the imputer actually does work (torch harness may use pure randn;
    # the reference below is faithful for any input, zeros or not)
    keep = jax.random.uniform(k2, (B, T, D)) > 0.25
    x_masked = jnp.where(keep, x, 0.0).astype(jnp.float32)
    return {"x_masked": x_masked}


def reference(x_masked):
    # Faithful vectorization of the per-(b,d) scan:
    # for each interior run of zeros [start, end), fill with
    # torch.linspace(x[start-1], x[end], steps=end-start), i.e.
    # value at offset i in the run = x_prev + i * (x_next - x_prev) / (n - 1)
    # (for n == 1, linspace(steps=1) == [x_prev]). Boundary zero runs stay zero.
    B, T, D = x_masked.shape
    t_idx = jnp.arange(T)[None, :, None]
    nonzero = x_masked != 0
    # index of last nonzero at or before t (== t itself at nonzero positions, unused there)
    prev_cand = jnp.where(nonzero, t_idx, -1)
    prev_idx = jax.lax.cummax(prev_cand, axis=1)
    # index of first nonzero at or after t
    next_cand = jnp.where(nonzero, t_idx, T)
    next_idx = jax.lax.cummin(next_cand, axis=1, reverse=True)
    x_prev = jnp.take_along_axis(x_masked, jnp.clip(prev_idx, 0, T - 1), axis=1)
    x_next = jnp.take_along_axis(x_masked, jnp.clip(next_idx, 0, T - 1), axis=1)
    n = next_idx - prev_idx - 1            # run length (steps in linspace)
    i = t_idx - prev_idx - 1               # offset within the run
    denom = jnp.maximum(n - 1, 1).astype(x_masked.dtype)
    frac = jnp.where(n > 1, i.astype(x_masked.dtype) / denom, jnp.zeros((), x_masked.dtype))
    val = x_prev + frac * (x_next - x_prev)
    valid = (~nonzero) & (prev_idx >= 0) & (next_idx < T)
    return jnp.where(valid, val, x_masked)

if __name__ == "__main__":
    import jax
    _d = setup_inputs()
    print(jax.jit(kernel)(*tuple(_d.values())))

</pallas_src>

<mosaic_0001>
#map = affine_map<(d0, d1) -> (0, 0, 0)>
module attributes {stable_mosaic.version = 14 : i64} {
  func.func @_tec_body(%arg0: i32, %arg1: i32, %arg2: memref<8x512x64xf32, #tpu.memory_space<hbm>>, %arg3: memref<8x512x64xf32, #tpu.memory_space<hbm>>, %arg4: memref<512x16xf32, #tpu.memory_space<vmem>>, %arg5: memref<512x16xf32, #tpu.memory_space<vmem>>, %arg6: memref<512x16xi32, #tpu.memory_space<vmem>>) attributes {dimension_semantics = [#tpu.dimension_semantics<core_parallel>, #tpu.dimension_semantics<subcore_parallel>], iteration_bounds = array<i64: 2, 16>, scalar_prefetch = 0 : i64, scratch_operands = 3 : i64, tpu.core_type = #tpu.core_type<sc_vector_subcore>, window_params = [{transform_indices = #map}, {transform_indices = #map}]} {
    %mul3A = arith.constant 2 : i32
    %mul3A_0 = arith.muli %arg1, %mul3A : i32
    %add3A = arith.addi %mul3A_0, %arg0 : i32
    %jit3A = arith.constant 4 : i32
    %div3A = arith.divsi %add3A, %jit3A : i32
    %sign3A = arith.constant 0 : i32
    %sign3A_1 = arith.cmpi sgt, %add3A, %sign3A : i32
    %sign3A_2 = arith.extui %sign3A_1 : i1 to i32
    %sign3A_3 = arith.constant 0 : i32
    %sign3A_4 = arith.cmpi slt, %add3A, %sign3A_3 : i32
    %sign3A_5 = arith.extui %sign3A_4 : i1 to i32
    %sign3A_6 = arith.subi %sign3A_2, %sign3A_5 : i32
    %sign3A_7 = arith.constant 0 : i32
    %sign3A_8 = arith.cmpi sgt, %jit3A, %sign3A_7 : i32
    %sign3A_9 = arith.extui %sign3A_8 : i1 to i32
    %sign3A_10 = arith.constant 0 : i32
    %sign3A_11 = arith.cmpi slt, %jit3A, %sign3A_10 : i32
    %sign3A_12 = arith.extui %sign3A_11 : i1 to i32
    %sign3A_13 = arith.subi %sign3A_9, %sign3A_12 : i32
    %ne3A = arith.cmpi ne, %sign3A_6, %sign3A_13 : i32
    %rem3A = arith.remsi %add3A, %jit3A : i32
    %ne3A_14 = arith.constant 0 : i32
    %ne3A_15 = arith.cmpi ne, %rem3A, %ne3A_14 : i32
    %and3A = arith.andi %ne3A, %ne3A_15 : i1
    %sub3A = arith.constant 1 : i32
    %sub3A_16 = arith.subi %div3A, %sub3A : i32
    %select_n3A = arith.select %and3A, %sub3A_16, %div3A : i32
    %jit3A_17 = arith.constant 4 : i32
    %eq3A = arith.constant 0 : i32
    %eq3A_18 = arith.cmpi eq, %jit3A_17, %eq3A : i32
    %jit3A_19 = arith.constant 1 : i32
    %select_n3A_20 = arith.select %eq3A_18, %jit3A_19, %jit3A_17 : i32
    %rem3A_21 = arith.remsi %add3A, %select_n3A_20 : i32
    %ne3A_22 = arith.constant 0 : i32
    %ne3A_23 = arith.cmpi ne, %rem3A_21, %ne3A_22 : i32
    %lt3A = arith.constant 0 : i32
    %lt3A_24 = arith.cmpi slt, %rem3A_21, %lt3A : i32
    %lt3A_25 = arith.constant 0 : i32
    %lt3A_26 = arith.cmpi slt, %select_n3A_20, %lt3A_25 : i32
    %ne3A_27 = arith.xori %lt3A_24, %lt3A_26 : i1
    %and3A_28 = arith.andi %ne3A_27, %ne3A_23 : i1
    %add3A_29 = arith.addi %rem3A_21, %select_n3A_20 : i32
    %select_n3A_30 = arith.select %and3A_28, %add3A_29, %rem3A_21 : i32
    %mul3A_31 = arith.constant 16 : i32
    %mul3A_32 = arith.muli %select_n3A_30, %mul3A_31 : i32
    "tpu.region"() ({
      %run_scoped3A = tpu.sem_alloc : memref<!tpu.dma_semaphore, #tpu.memory_space<semaphore_mem>>
      %dma_start3A = arith.constant 0 : i32
      %dma_start3A_49 = tpu.memref_slice %arg2[%select_n3A, %dma_start3A, %mul3A_32] : memref<8x512x64xf32, #tpu.memory_space<hbm>> -> memref<1x512x16xf32, #tpu.memory_space<hbm>>
      %dma_start3A_50 = tpu.memref_squeeze %dma_start3A_49 : memref<1x512x16xf32, #tpu.memory_space<hbm>> -> memref<512x16xf32, #tpu.memory_space<hbm>>
      %dma_start3A_51 = arith.constant 0 : i32
      %dma_start3A_52 = tpu.memref_slice %arg2[%select_n3A, %dma_start3A_51, %mul3A_32] : memref<8x512x64xf32, #tpu.memory_space<hbm>> -> memref<1x512x16xf32, #tpu.memory_space<hbm>>
      %dma_start3A_53 = tpu.memref_squeeze %dma_start3A_52 : memref<1x512x16xf32, #tpu.memory_space<hbm>> -> memref<512x16xf32, #tpu.memory_space<hbm>>
      tpu.enqueue_dma source(%dma_start3A_53 : memref<512x16xf32, #tpu.memory_space<hbm>>) target(%arg4 : memref<512x16xf32, #tpu.memory_space<vmem>>) target_semaphore(%run_scoped3A : memref<!tpu.dma_semaphore, #tpu.memory_space<semaphore_mem>>)
      %dma_wait3A = arith.constant 0 : i32
      %dma_wait3A_54 = tpu.memref_slice %arg2[%select_n3A, %dma_wait3A, %mul3A_32] : memref<8x512x64xf32, #tpu.memory_space<hbm>> -> memref<1x512x16xf32, #tpu.memory_space<hbm>>
      %dma_wait3A_55 = tpu.memref_squeeze %dma_wait3A_54 : memref<1x512x16xf32, #tpu.memory_space<hbm>> -> memref<512x16xf32, #tpu.memory_space<hbm>>
      %dma_wait3A_56 = arith.constant 0 : i32
      %dma_wait3A_57 = tpu.memref_slice %arg2[%select_n3A, %dma_wait3A_56, %mul3A_32] : memref<8x512x64xf32, #tpu.memory_space<hbm>> -> memref<1x512x16xf32, #tpu.memory_space<hbm>>
      %dma_wait3A_58 = tpu.memref_squeeze %dma_wait3A_57 : memref<1x512x16xf32, #tpu.memory_space<hbm>> -> memref<512x16xf32, #tpu.memory_space<hbm>>
      tpu.wait_dma2 semaphore(%run_scoped3A : memref<!tpu.dma_semaphore, #tpu.memory_space<semaphore_mem>>) src(%dma_wait3A_58 : memref<512x16xf32, #tpu.memory_space<hbm>>) dst(%arg4 : memref<512x16xf32, #tpu.memory_space<vmem>>)
      tpu.yield
    }) : () -> ()
    %broadcast_in_dim3A = arith.constant 0.000000e+00 : f32
    %broadcast_in_dim3A_33 = vector.broadcast %broadcast_in_dim3A : f32 to vector<16xf32>
    %broadcast_in_dim3A_34 = arith.constant -1 : i32
    %broadcast_in_dim3A_35 = vector.broadcast %broadcast_in_dim3A_34 : i32 to vector<16xi32>
    %scan3A = arith.constant 0 : i32
    %scan3A_36 = arith.constant 512 : i32
    %scan3A_37 = arith.addi %scan3A, %scan3A_36 : i32
    %scan3A_38 = arith.constant 2 : i32
    %scan3A_39:2 = scf.for %scan3A_49 = %scan3A to %scan3A_37 step %scan3A_38 iter_args(%scan3A_50 = %broadcast_in_dim3A_33, %scan3A_51 = %broadcast_in_dim3A_35) -> (vector<16xf32>, vector<16xi32>)  : i32 {
      %get3A = arith.index_cast %scan3A_49 : i32 to index
      %get3A_52 = arith.constant 0 : index
      %get3A_53 = tpu.vector_load %arg4[%get3A, %get3A_52] {strides = array<i32>} : memref<512x16xf32, #tpu.memory_space<vmem>>, vector<1x16xf32>,
      %get3A_54 = vector.shape_cast %get3A_53 : vector<1x16xf32> to vector<16xf32>
      %ne3A_55 = arith.constant 0.000000e+00 : f32
      %ne3A_56 = vector.broadcast %ne3A_55 : f32 to vector<16xf32>
      %ne3A_57 = arith.cmpf one, %get3A_54, %ne3A_56 : vector<16xf32>
      %select_n3A_58 = arith.select %ne3A_57, %get3A_54, %scan3A_50 : vector<16xi1>, vector<16xf32>
      %broadcast_in_dim3A_59 = vector.broadcast %scan3A_49 : i32 to vector<16xi32>
      %select_n3A_60 = arith.select %ne3A_57, %broadcast_in_dim3A_59, %scan3A_51 : vector<16xi1>, vector<16xi32>
      %swap3A = arith.index_cast %scan3A_49 : i32 to index
      %swap3A_61 = arith.constant 0 : index
      %swap3A_62 = tpu.vector_load %arg5[%swap3A, %swap3A_61] {strides = array<i32>} : memref<512x16xf32, #tpu.memory_space<vmem>>, vector<1x16xf32>,
      %swap3A_63 = vector.shape_cast %swap3A_62 : vector<1x16xf32> to vector<16xf32>
      %swap3A_64 = vector.shape_cast %select_n3A_58 : vector<16xf32> to vector<1x16xf32>
      tpu.vector_store %arg5[%swap3A, %swap3A_61], %swap3A_64 {strides = array<i32>} : memref<512x16xf32, #tpu.memory_space<vmem>>, vector<1x16xf32>,
      %swap3A_65 = arith.index_cast %scan3A_49 : i32 to index
      %swap3A_66 = arith.constant 0 : index
      %swap3A_67 = tpu.vector_load %arg6[%swap3A_65, %swap3A_66] {strides = array<i32>} : memref<512x16xi32, #tpu.memory_space<vmem>>, vector<1x16xi32>,
      %swap3A_68 = vector.shape_cast %swap3A_67 : vector<1x16xi32> to vector<16xi32>
      %swap3A_69 = vector.shape_cast %select_n3A_60 : vector<16xi32> to vector<1x16xi32>
      tpu.vector_store %arg6[%swap3A_65, %swap3A_66], %swap3A_69 {strides = array<i32>} : memref<512x16xi32, #tpu.memory_space<vmem>>, vector<1x16xi32>,
      %scan3A_70 = arith.constant 1 : i32
      %scan3A_71 = arith.addi %scan3A_49, %scan3A_70 : i32
      %get3A_72 = arith.index_cast %scan3A_71 : i32 to index
      %get3A_73 = arith.constant 0 : index
      %get3A_74 = tpu.vector_load %arg4[%get3A_72, %get3A_73] {strides = array<i32>} : memref<512x16xf32, #tpu.memory_space<vmem>>, vector<1x16xf32>,
      %get3A_75 = vector.shape_cast %get3A_74 : vector<1x16xf32> to vector<16xf32>
      %ne3A_76 = arith.constant 0.000000e+00 : f32
      %ne3A_77 = vector.broadcast %ne3A_76 : f32 to vector<16xf32>
      %ne3A_78 = arith.cmpf one, %get3A_75, %ne3A_77 : vector<16xf32>
      %select_n3A_79 = arith.select %ne3A_78, %get3A_75, %select_n3A_58 : vector<16xi1>, vector<16xf32>
      %broadcast_in_dim3A_80 = vector.broadcast %scan3A_71 : i32 to vector<16xi32>
      %select_n3A_81 = arith.select %ne3A_78, %broadcast_in_dim3A_80, %select_n3A_60 : vector<16xi1>, vector<16xi32>
      %swap3A_82 = arith.index_cast %scan3A_71 : i32 to index
      %swap3A_83 = arith.constant 0 : index
      %swap3A_84 = tpu.vector_load %arg5[%swap3A_82, %swap3A_83] {strides = array<i32>} : memref<512x16xf32, #tpu.memory_space<vmem>>, vector<1x16xf32>,
      %swap3A_85 = vector.shape_cast %swap3A_84 : vector<1x16xf32> to vector<16xf32>
      %swap3A_86 = vector.shape_cast %select_n3A_79 : vector<16xf32> to vector<1x16xf32>
      tpu.vector_store %arg5[%swap3A_82, %swap3A_83], %swap3A_86 {strides = array<i32>} : memref<512x16xf32, #tpu.memory_space<vmem>>, vector<1x16xf32>,
      %swap3A_87 = arith.index_cast %scan3A_71 : i32 to index
      %swap3A_88 = arith.constant 0 : index
      %swap3A_89 = tpu.vector_load %arg6[%swap3A_87, %swap3A_88] {strides = array<i32>} : memref<512x16xi32, #tpu.memory_space<vmem>>, vector<1x16xi32>,
      %swap3A_90 = vector.shape_cast %swap3A_89 : vector<1x16xi32> to vector<16xi32>
      %swap3A_91 = vector.shape_cast %select_n3A_81 : vector<16xi32> to vector<1x16xi32>
      tpu.vector_store %arg6[%swap3A_87, %swap3A_88], %swap3A_91 {strides = array<i32>} : memref<512x16xi32, #tpu.memory_space<vmem>>, vector<1x16xi32>,
      scf.yield %select_n3A_79, %select_n3A_81 : vector<16xf32>, vector<16xi32>
    }
    %scan3A_40 = arith.constant 512 : i32
    %broadcast_in_dim3A_41 = arith.constant 512 : i32
    %broadcast_in_dim3A_42 = vector.broadcast %broadcast_in_dim3A_41 : i32 to vector<16xi32>
    %scan3A_43 = arith.constant 0 : i32
    %scan3A_44 = arith.constant 512 : i32
    %scan3A_45 = arith.addi %scan3A_43, %scan3A_44 : i32
    %scan3A_46 = arith.constant 2 : i32
    %scan3A_47:2 = scf.for %scan3A_49 = %scan3A_43 to %scan3A_45 step %scan3A_46 iter_args(%scan3A_50 = %broadcast_in_dim3A_33, %scan3A_51 = %broadcast_in_dim3A_42) -> (vector<16xf32>, vector<16xi32>)  : i32 {
      %sub3A_52 = arith.constant 511 : i32
      %sub3A_53 = arith.subi %sub3A_52, %scan3A_49 : i32
      %get3A = arith.index_cast %sub3A_53 : i32 to index
      %get3A_54 = arith.constant 0 : index
      %get3A_55 = tpu.vector_load %arg4[%get3A, %get3A_54] {strides = array<i32>} : memref<512x16xf32, #tpu.memory_space<vmem>>, vector<1x16xf32>,
      %get3A_56 = vector.shape_cast %get3A_55 : vector<1x16xf32> to vector<16xf32>
      %ne3A_57 = arith.constant 0.000000e+00 : f32
      %ne3A_58 = vector.broadcast %ne3A_57 : f32 to vector<16xf32>
      %ne3A_59 = arith.cmpf one, %get3A_56, %ne3A_58 : vector<16xf32>
      %select_n3A_60 = arith.select %ne3A_59, %get3A_56, %scan3A_50 : vector<16xi1>, vector<16xf32>
      %broadcast_in_dim3A_61 = vector.broadcast %sub3A_53 : i32 to vector<16xi32>
      %select_n3A_62 = arith.select %ne3A_59, %broadcast_in_dim3A_61, %scan3A_51 : vector<16xi1>, vector<16xi32>
      %get3A_63 = arith.index_cast %sub3A_53 : i32 to index
      %get3A_64 = arith.constant 0 : index
      %get3A_65 = tpu.vector_load %arg5[%get3A_63, %get3A_64] {strides = array<i32>} : memref<512x16xf32, #tpu.memory_space<vmem>>, vector<1x16xf32>,
      %get3A_66 = vector.shape_cast %get3A_65 : vector<1x16xf32> to vector<16xf32>
      %get3A_67 = arith.index_cast %sub3A_53 : i32 to index
      %get3A_68 = arith.constant 0 : index
      %get3A_69 = tpu.vector_load %arg6[%get3A_67, %get3A_68] {strides = array<i32>} : memref<512x16xi32, #tpu.memory_space<vmem>>, vector<1x16xi32>,
      %get3A_70 = vector.shape_cast %get3A_69 : vector<1x16xi32> to vector<16xi32>
      %sub3A_71 = arith.subi %select_n3A_62, %get3A_70 : vector<16xi32>
      %sub3A_72 = arith.constant 1 : i32
      %sub3A_73 = vector.broadcast %sub3A_72 : i32 to vector<16xi32>
      %sub3A_74 = arith.subi %sub3A_71, %sub3A_73 : vector<16xi32>
      %broadcast_in_dim3A_75 = vector.broadcast %sub3A_53 : i32 to vector<16xi32>
      %sub3A_76 = arith.subi %broadcast_in_dim3A_75, %get3A_70 : vector<16xi32>
      %sub3A_77 = arith.constant 1 : i32
      %sub3A_78 = vector.broadcast %sub3A_77 : i32 to vector<16xi32>
      %sub3A_79 = arith.subi %sub3A_76, %sub3A_78 : vector<16xi32>
      %sub3A_80 = arith.constant 1 : i32
      %sub3A_81 = vector.broadcast %sub3A_80 : i32 to vector<16xi32>
      %sub3A_82 = arith.subi %sub3A_74, %sub3A_81 : vector<16xi32>
      %max3A = arith.constant 1 : i32
      %max3A_83 = vector.broadcast %max3A : i32 to vector<16xi32>
      %max3A_84 = arith.maxsi %sub3A_82, %max3A_83 : vector<16xi32>
      %convert_element_type3A = arith.sitofp %max3A_84 : vector<16xi32> to vector<16xf32>
      %gt3A = arith.constant 1 : i32
      %gt3A_85 = vector.broadcast %gt3A : i32 to vector<16xi32>
      %gt3A_86 = arith.cmpi sgt, %sub3A_74, %gt3A_85 : vector<16xi32>
      %convert_element_type3A_87 = arith.sitofp %sub3A_79 : vector<16xi32> to vector<16xf32>
      %div3A_88 = arith.divf %convert_element_type3A_87, %convert_element_type3A : vector<16xf32>
      %select_n3A_89 = arith.select %gt3A_86, %div3A_88, %broadcast_in_dim3A_33 : vector<16xi1>, vector<16xf32>
      %sub3A_90 = arith.subf %select_n3A_60, %get3A_66 : vector<16xf32>
      %mul3A_91 = arith.mulf %select_n3A_89, %sub3A_90 : vector<16xf32>
      %add3A_92 = arith.addf %get3A_66, %mul3A_91 : vector<16xf32>
      %ge3A = arith.constant 0 : i32
      %ge3A_93 = vector.broadcast %ge3A : i32 to vector<16xi32>
      %ge3A_94 = arith.cmpi sge, %get3A_70, %ge3A_93 : vector<16xi32>
      %lt3A_95 = arith.constant 512 : i32
      %lt3A_96 = vector.broadcast %lt3A_95 : i32 to vector<16xi32>
      %lt3A_97 = arith.cmpi slt, %select_n3A_62, %lt3A_96 : vector<16xi32>
      %select_n3A_98 = arith.select %lt3A_97, %add3A_92, %get3A_56 : vector<16xi1>, vector<16xf32>
      %select_n3A_99 = arith.select %ge3A_94, %select_n3A_98, %get3A_56 : vector<16xi1>, vector<16xf32>
      %select_n3A_100 = arith.select %ne3A_59, %get3A_56, %select_n3A_99 : vector<16xi1>, vector<16xf32>
      %swap3A = arith.index_cast %sub3A_53 : i32 to index
      %swap3A_101 = arith.constant 0 : index
      %swap3A_102 = tpu.vector_load %arg4[%swap3A, %swap3A_101] {strides = array<i32>} : memref<512x16xf32, #tpu.memory_space<vmem>>, vector<1x16xf32>,
      %swap3A_103 = vector.shape_cast %swap3A_102 : vector<1x16xf32> to vector<16xf32>
      %swap3A_104 = vector.shape_cast %select_n3A_100 : vector<16xf32> to vector<1x16xf32>
      tpu.vector_store %arg4[%swap3A, %swap3A_101], %swap3A_104 {strides = array<i32>} : memref<512x16xf32, #tpu.memory_space<vmem>>, vector<1x16xf32>,
      %scan3A_105 = arith.constant 1 : i32
      %scan3A_106 = arith.addi %scan3A_49, %scan3A_105 : i32
      %sub3A_107 = arith.constant 511 : i32
      %sub3A_108 = arith.subi %sub3A_107, %scan3A_106 : i32
      %get3A_109 = arith.index_cast %sub3A_108 : i32 to index
      %get3A_110 = arith.constant 0 : index
      %get3A_111 = tpu.vector_load %arg4[%get3A_109, %get3A_110] {strides = array<i32>} : memref<512x16xf32, #tpu.memory_space<vmem>>, vector<1x16xf32>,
      %get3A_112 = vector.shape_cast %get3A_111 : vector<1x16xf32> to vector<16xf32>
      %ne3A_113 = arith.constant 0.000000e+00 : f32
      %ne3A_114 = vector.broadcast %ne3A_113 : f32 to vector<16xf32>
      %ne3A_115 = arith.cmpf one, %get3A_112, %ne3A_114 : vector<16xf32>
      %select_n3A_116 = arith.select %ne3A_115, %get3A_112, %select_n3A_60 : vector<16xi1>, vector<16xf32>
      %broadcast_in_dim3A_117 = vector.broadcast %sub3A_108 : i32 to vector<16xi32>
      %select_n3A_118 = arith.select %ne3A_115, %broadcast_in_dim3A_117, %select_n3A_62 : vector<16xi1>, vector<16xi32>
      %get3A_119 = arith.index_cast %sub3A_108 : i32 to index
      %get3A_120 = arith.constant 0 : index
      %get3A_121 = tpu.vector_load %arg5[%get3A_119, %get3A_120] {strides = array<i32>} : memref<512x16xf32, #tpu.memory_space<vmem>>, vector<1x16xf32>,
      %get3A_122 = vector.shape_cast %get3A_121 : vector<1x16xf32> to vector<16xf32>
      %get3A_123 = arith.index_cast %sub3A_108 : i32 to index
      %get3A_124 = arith.constant 0 : index
      %get3A_125 = tpu.vector_load %arg6[%get3A_123, %get3A_124] {strides = array<i32>} : memref<512x16xi32, #tpu.memory_space<vmem>>, vector<1x16xi32>,
      %get3A_126 = vector.shape_cast %get3A_125 : vector<1x16xi32> to vector<16xi32>
      %sub3A_127 = arith.subi %select_n3A_118, %get3A_126 : vector<16xi32>
      %sub3A_128 = arith.constant 1 : i32
      %sub3A_129 = vector.broadcast %sub3A_128 : i32 to vector<16xi32>
      %sub3A_130 = arith.subi %sub3A_127, %sub3A_129 : vector<16xi32>
      %broadcast_in_dim3A_131 = vector.broadcast %sub3A_108 : i32 to vector<16xi32>
      %sub3A_132 = arith.subi %broadcast_in_dim3A_131, %get3A_126 : vector<16xi32>
      %sub3A_133 = arith.constant 1 : i32
      %sub3A_134 = vector.broadcast %sub3A_133 : i32 to vector<16xi32>
      %sub3A_135 = arith.subi %sub3A_132, %sub3A_134 : vector<16xi32>
      %sub3A_136 = arith.constant 1 : i32
      %sub3A_137 = vector.broadcast %sub3A_136 : i32 to vector<16xi32>
      %sub3A_138 = arith.subi %sub3A_130, %sub3A_137 : vector<16xi32>
      %max3A_139 = arith.constant 1 : i32
      %max3A_140 = vector.broadcast %max3A_139 : i32 to vector<16xi32>
      %max3A_141 = arith.maxsi %sub3A_138, %max3A_140 : vector<16xi32>
      %convert_element_type3A_142 = arith.sitofp %max3A_141 : vector<16xi32> to vector<16xf32>
      %gt3A_143 = arith.constant 1 : i32
      %gt3A_144 = vector.broadcast %gt3A_143 : i32 to vector<16xi32>
      %gt3A_145 = arith.cmpi sgt, %sub3A_130, %gt3A_144 : vector<16xi32>
      %convert_element_type3A_146 = arith.sitofp %sub3A_135 : vector<16xi32> to vector<16xf32>
      %div3A_147 = arith.divf %convert_element_type3A_146, %convert_element_type3A_142 : vector<16xf32>
      %select_n3A_148 = arith.select %gt3A_145, %div3A_147, %broadcast_in_dim3A_33 : vector<16xi1>, vector<16xf32>
      %sub3A_149 = arith.subf %select_n3A_116, %get3A_122 : vector<16xf32>
      %mul3A_150 = arith.mulf %select_n3A_148, %sub3A_149 : vector<16xf32>
      %add3A_151 = arith.addf %get3A_122, %mul3A_150 : vector<16xf32>
      %ge3A_152 = arith.constant 0 : i32
      %ge3A_153 = vector.broadcast %ge3A_152 : i32 to vector<16xi32>
      %ge3A_154 = arith.cmpi sge, %get3A_126, %ge3A_153 : vector<16xi32>
      %lt3A_155 = arith.constant 512 : i32
      %lt3A_156 = vector.broadcast %lt3A_155 : i32 to vector<16xi32>
      %lt3A_157 = arith.cmpi slt, %select_n3A_118, %lt3A_156 : vector<16xi32>
      %select_n3A_158 = arith.select %lt3A_157, %add3A_151, %get3A_112 : vector<16xi1>, vector<16xf32>
      %select_n3A_159 = arith.select %ge3A_154, %select_n3A_158, %get3A_112 : vector<16xi1>, vector<16xf32>
      %select_n3A_160 = arith.select %ne3A_115, %get3A_112, %select_n3A_159 : vector<16xi1>, vector<16xf32>
      %swap3A_161 = arith.index_cast %sub3A_108 : i32 to index
      %swap3A_162 = arith.constant 0 : index
      %swap3A_163 = tpu.vector_load %arg4[%swap3A_161, %swap3A_162] {strides = array<i32>} : memref<512x16xf32, #tpu.memory_space<vmem>>, vector<1x16xf32>,
      %swap3A_164 = vector.shape_cast %swap3A_163 : vector<1x16xf32> to vector<16xf32>
      %swap3A_165 = vector.shape_cast %select_n3A_160 : vector<16xf32> to vector<1x16xf32>
      tpu.vector_store %arg4[%swap3A_161, %swap3A_162], %swap3A_165 {strides = array<i32>} : memref<512x16xf32, #tpu.memory_space<vmem>>, vector<1x16xf32>,
      scf.yield %select_n3A_116, %select_n3A_118 : vector<16xf32>, vector<16xi32>
    }
    %scan3A_48 = arith.constant 512 : i32
    "tpu.region"() ({
      %run_scoped3A = tpu.sem_alloc : memref<!tpu.dma_semaphore, #tpu.memory_space<semaphore_mem>>
      %dma_start3A = arith.constant 0 : i32
      %dma_start3A_49 = tpu.memref_slice %arg3[%select_n3A, %dma_start3A, %mul3A_32] : memref<8x512x64xf32, #tpu.memory_space<hbm>> -> memref<1x512x16xf32, #tpu.memory_space<hbm>>
      %dma_start3A_50 = tpu.memref_squeeze %dma_start3A_49 : memref<1x512x16xf32, #tpu.memory_space<hbm>> -> memref<512x16xf32, #tpu.memory_space<hbm>>
      %dma_start3A_51 = arith.constant 0 : i32
      %dma_start3A_52 = tpu.memref_slice %arg3[%select_n3A, %dma_start3A_51, %mul3A_32] : memref<8x512x64xf32, #tpu.memory_space<hbm>> -> memref<1x512x16xf32, #tpu.memory_space<hbm>>
      %dma_start3A_53 = tpu.memref_squeeze %dma_start3A_52 : memref<1x512x16xf32, #tpu.memory_space<hbm>> -> memref<512x16xf32, #tpu.memory_space<hbm>>
      tpu.enqueue_dma source(%arg4 : memref<512x16xf32, #tpu.memory_space<vmem>>) target(%dma_start3A_53 : memref<512x16xf32, #tpu.memory_space<hbm>>) target_semaphore(%run_scoped3A : memref<!tpu.dma_semaphore, #tpu.memory_space<semaphore_mem>>)
      %dma_wait3A = arith.constant 0 : i32
      %dma_wait3A_54 = tpu.memref_slice %arg3[%select_n3A, %dma_wait3A, %mul3A_32] : memref<8x512x64xf32, #tpu.memory_space<hbm>> -> memref<1x512x16xf32, #tpu.memory_space<hbm>>
      %dma_wait3A_55 = tpu.memref_squeeze %dma_wait3A_54 : memref<1x512x16xf32, #tpu.memory_space<hbm>> -> memref<512x16xf32, #tpu.memory_space<hbm>>
      %dma_wait3A_56 = arith.constant 0 : i32
      %dma_wait3A_57 = tpu.memref_slice %arg3[%select_n3A, %dma_wait3A_56, %mul3A_32] : memref<8x512x64xf32, #tpu.memory_space<hbm>> -> memref<1x512x16xf32, #tpu.memory_space<hbm>>
      %dma_wait3A_58 = tpu.memref_squeeze %dma_wait3A_57 : memref<1x512x16xf32, #tpu.memory_space<hbm>> -> memref<512x16xf32, #tpu.memory_space<hbm>>
      tpu.wait_dma2 semaphore(%run_scoped3A : memref<!tpu.dma_semaphore, #tpu.memory_space<semaphore_mem>>) src(%arg4 : memref<512x16xf32, #tpu.memory_space<vmem>>) dst(%dma_wait3A_58 : memref<512x16xf32, #tpu.memory_space<hbm>>)
      tpu.yield
    }) : () -> ()
    return
  }
}

</mosaic_0001>

<sc_bundles>
// kernel: kernel.3.cloned.1.call-start
scs
__scs_entry_jumppad:
0x0: {  	(pc) =	sbr.rel $0x88, $3  }
0x1: {  	(tag) =	ssettag $0x0;
	lr =	simm.s32 $0x1  }
0x2: {  	[smem:$0x3FA0] =	sst lr;
	_ =	strace $0xD0000000  }
0x3: {  	_ = 	snop  }
0x4: {  	_ = 	snop  }
0x5: {  	_ = 	snop  }
0x6: {  	_ = 	snop  }
0x7: {  	_ = 	snop  }
__scs_overlays_trampoline_lowered:
0x8: {  	[smem:$0x3FAF] =	sst s0  }
0x9: {  	[smem:$0x3FB0] =	sst s1  }
0xa: {  	[smem:$0x3FB1] =	sst s2  }
0xb: {  	[smem:$0x3FB2] =	sst s3  }
0xc: {  	[smem:$0x3FB3] =	sst s4  }
0xd: {  	[smem:$0x3FB4] =	sst s5  }
0xe: {  	[smem:$0x3FB5] =	sst s6  }
0xf: {  	[smem:$0x3FB6] =	sst s7  }
0x10: {  	[smem:$0x3FB7] =	sst s8  }
0x11: {  	[smem:$0x3FB8] =	sst s9;
	s0 =	simm.s32 @!p0 $0x0  }
0x12: {  	s1 =	sld [smem:$0x3F9E];
	s0 =	simm.s32 @p0 $0x1  }
0x13: {  	[smem:$0x3FB9] =	sst s0;
	s0 =	simm.s32 @!p1 $0x0  }
0x14: {  	s2 =	sld [smem:$0x3F9D];
	s0 =	simm.s32 @p1 $0x1  }
0x15: {  	[smem:$0x3FBA] =	sst s0;
	s0 =	simm.s32 @!p2 $0x0  }
0x16: {  	s3 =	sld [smem:$0x3FDB];
	s0 =	simm.s32 @p2 $0x1  }
0x17: {  	s4 =	simm.s32 $0x1BF5;
	[smem:$0x3FBC] =	sst s0  }
0x18: {  	s0 =	sld [smem:$0x3F9F];
	_ =	swait.ge [sflag:s4], $0x0  }
0x19: {  	s7 =	sld [smem:$0x3FA0]  }
0x1a: {  	s8 =	sadd.s32 $0xFFFFE003, lr  }
0x1b: {  	s9 =	sadd.s32 $0xFFFFFEF7, lr;
	s5 =	simm.s32 $0xFFFFFFFF;
	p2 =	slt.u32 s8, $0xFFFFF086  }
0x1c: {  	p1 =	slt.u32 s9, $0xF7A;
	s5 =	simm.s32 @!p2 $0x0  }
0x1d: {  	s5 =	simm.s32 @p1 $0x1;
	p0 =	seq.s32 s7, s2  }
0x1e: {  	s7 =	smul.u32 @!p0 $0xF7A, s2;
	p2 =	seq.s32 @!p0 s5, $0x0  }
0x1f: {  	s9 =	smul.u32 $0xF7A, s1;
	s8 =	simm.s32 @!p0 $0x1BF5;
	p2 =	por !p2, p0  }
0x20: {  	[sflag:s8] =	ssyncset.s32 @!p0 $0xFFFFF086;
	s6 =	sadd.s32 @!p0 s3, s7;
	s7 =	simm.s32 @!p0 $0x108  }
0x21: {  	s3 =	sadd.s32 s3, s9;
	s6 =	sadd.s32 @!p0 $0x88, s6;
	s7 =	simm.s32 @p2 $0x1082  }
0x22: {  	[simem:s7], [sflag:s8] =	dma.local @!p0 [hbm:s6], $0xF7A  }
0x23: {  	s9 =	sor.u32 $0xD0000000, s2;
	s6 =	simm.s32 $0x108;
	_ =	swait.ge @!p0 [sflag:s8], $0x0  }
0x24: {  	s3 =	sadd.s32 $0x88, s3;
	s6 =	simm.s32 @!p1 $0x1082;
	[sflag:s4] =	ssyncset.s32 $0xFFFFF086  }
0x25: {  	[simem:s6], [sflag:s4] =	dma.local [hbm:s3], $0xF7A  }
0x26: {  	[smem:$0x3FA0] =	sst s1;
	(tag) =	ssettag s2;
	_ =	strace s9  }
0x27: {  	s1 =	sld [smem:$0x3FB0]  }
0x28: {  	s2 =	sld [smem:$0x3FB1]  }
0x29: {  	s4 =	sld [smem:$0x3FB3]  }
0x2a: {  	p0 =	seq.s32 s5, $0x0;
	s5 =	sld [smem:$0x3FB4]  }
0x2b: {  	s6 =	sld [smem:$0x3FB5]  }
0x2c: {  	s7 =	sld [smem:$0x3FB6]  }
0x2d: {  	s3 =	simm.s32 $0x108;
	s8 =	sld [smem:$0x3FB7]  }
0x2e: {  	s3 =	simm.s32 @!p0 $0x1082;
	s9 =	sld [smem:$0x3FB8]  }
0x2f: {  	lr =	sadd.s32 s0, s3;
	s0 =	sld [smem:$0x3FAF]  }
0x30: {  	s3 =	sld [smem:$0x3FB2]  }
0x31: {  	[smem:$0x3FBB] =	sst s10  }
0x32: {  	s10 =	sld [smem:$0x3FB9];
	_ =	sdelay $0x3  }
0x33: {  	p0 =	seq.s32 s10, $0x1;
	s10 =	sld [smem:$0x3FBB];
	_ =	sdelay $0x3  }
0x34: {  	[smem:$0x3FBB] =	sst s10  }
0x35: {  	s10 =	sld [smem:$0x3FBA];
	_ =	sdelay $0x3  }
0x36: {  	p1 =	seq.s32 s10, $0x1;
	s10 =	sld [smem:$0x3FBB];
	_ =	sdelay $0x3  }
0x37: {  	[smem:$0x3FBB] =	sst s10  }
0x38: {  	s10 =	sld [smem:$0x3FBC]  }
0x39: {  	_ = 	snop;
	(pc) =	sbr.ind lr, $3  }
0x3a: {  	_ = 	snop  }
0x3b: {  	_ = 	snop  }
0x3c: {  	p2 =	seq.s32 s10, $0x1;
	s10 =	sld [smem:$0x3FBB]  }
0x3d: {  	_ =	shalt  }
0x3e: {  	_ =	shalt  }
0x3f: {  	_ =	shalt  }
0x40: {  	_ =	shalt  }
0x41: {  	_ =	shalt  }
0x42: {  	_ =	shalt  }
0x43: {  	_ =	shalt  }
0x44: {  	_ =	shalt  }
0x45: {  	_ =	shalt  }
0x46: {  	_ =	shalt  }
0x47: {  	_ =	shalt  }
0x48: {  	_ =	shalt  }
0x49: {  	_ =	shalt  }
0x4a: {  	_ =	shalt  }
0x4b: {  	_ =	shalt  }
0x4c: {  	_ =	shalt  }
0x4d: {  	_ =	shalt  }
0x4e: {  	_ =	shalt  }
0x4f: {  	_ =	shalt  }
0x50: {  	_ =	shalt  }
0x51: {  	_ =	shalt  }
0x52: {  	_ =	shalt  }
0x53: {  	_ =	shalt  }
0x54: {  	_ =	shalt  }
0x55: {  	_ =	shalt  }
0x56: {  	_ =	shalt  }
0x57: {  	_ =	shalt  }
0x58: {  	_ =	shalt  }
0x59: {  	_ =	shalt  }
0x5a: {  	_ =	shalt  }
0x5b: {  	_ =	shalt  }
0x5c: {  	_ =	shalt  }
0x5d: {  	_ =	shalt  }
0x5e: {  	_ =	shalt  }
0x5f: {  	_ =	shalt  }
0x60: {  	_ =	shalt  }
0x61: {  	_ =	shalt  }
0x62: {  	_ =	shalt  }
0x63: {  	_ =	shalt  }
0x64: {  	_ =	shalt  }
0x65: {  	_ =	shalt  }
0x66: {  	_ =	shalt  }
0x67: {  	_ =	shalt  }
0x68: {  	_ =	shalt  }
0x69: {  	_ =	shalt  }
0x6a: {  	_ =	shalt  }
0x6b: {  	_ =	shalt  }
0x6c: {  	_ =	shalt  }
0x6d: {  	_ =	shalt  }
0x6e: {  	_ =	shalt  }
0x6f: {  	_ =	shalt  }
0x70: {  	_ =	shalt  }
0x71: {  	_ =	shalt  }
0x72: {  	_ =	shalt  }
0x73: {  	_ =	shalt  }
0x74: {  	_ =	shalt  }
0x75: {  	_ =	shalt  }
0x76: {  	_ =	shalt  }
0x77: {  	_ =	shalt  }
0x78: {  	_ =	shalt  }
0x79: {  	_ =	shalt  }
0x7a: {  	_ =	shalt  }
0x7b: {  	_ =	shalt  }
0x7c: {  	_ =	shalt  }
0x7d: {  	_ =	shalt  }
0x7e: {  	_ =	shalt  }
0x7f: {  	_ =	shalt  }
0x80: {  	_ =	shalt  }
0x81: {  	_ =	shalt  }
0x82: {  	_ =	shalt  }
0x83: {  	_ =	shalt  }
0x84: {  	_ =	shalt  }
0x85: {  	_ =	shalt  }
0x86: {  	_ =	shalt  }
0x87: {  	_ =	shalt  }
.Lfunc_end0:
.L_simem_size_0:
called_computation_lowered:
.L_overlay_start_0:
0x88: {  	s2 =	sld [smem:$0x3FD9]  }
0x89: {  	s3 =	sld [smem:$0x3FFE];
	_ =	sdelay $0x1  }
0x8a: {  	s1 =	srdreg.scid  }
0x8b: {  	s0 =	sand.u32 $0x1, s1  }
0x8c: {  	s17 =	sshll.u32 s0, $0xA;
	s2 =	sadd.s32 s3, s2  }
0x8d: {  	s2 =	sadd.s32 s2, s17  }
0x8e: {  	[smem:$0x3FC7] =	sst s2  }
0x8f: {  	_ = 	snop  }
0x90: {  	s2 =	sld [smem:$0x3FD0];
	(tm) =	ssettm $0x1  }
0x91: {  	s18 =	sld [smem:$0x3FFB];
	_ =	sdelay $0x3  }
0x92: {  	_ =	strace s18  }
0x93: {  	s3 =	sld [smem:$0x3FFC];
	_ =	sdelay $0x3  }
0x94: {  	_ =	strace s3  }
0x95: {  	s3 =	sld [smem:$0x3FFD];
	_ =	sdelay $0x3  }
0x96: {  	_ =	strace s3  }
0x97: {  	_ =	strace $0x8FFFFFFF  }
0x98: {  	s19 =	sld [smem:$0x3FDB];
	_ =	sdelay $0x1  }
0x99: {  	s4 =	simm.s32 $_scs_section_size  }
0x9a: {  	s5 =	simm.s32 $_size__tile_overlayer_lowered;
	s6 =	simm.s32 $_tile_overlayer_lowered  }
0x9b: {  	s22 =	simm.s32 $0x1BFF;
	s21 =	sshll.u32 s6, $0x1;
	s3 =	sadd.s32 s4, s19  }
0x9c: {  	s7 =	simm.s32 $0x0;
	s20 =	sshll.u32 s5, $0x1;
	s5 =	sadd.s32 s21, s3  }
0x9d: {  	[timem:s7], [sflag:s22] =	dma.local [hbm:s5], s20  }
0x9e: {  	_ =	swait.ge [sflag:s22], s20  }
0x9f: {  	s4 =	ssub.s32 $0x0, s20;
	[sflag:s22] =	ssyncset.done $0x0  }
0xa0: {  	[sflag:s22] =	ssyncadd.s32 s4;
	_ =	sdelay $0x1  }
0xa1: {  	s23 =	simm.s32 $0x1B8B  }
0xa2: {  	_ =	swait.ge [sflag:s23], $0x1  }
0xa3: {  	[sflag:s23] =	ssyncset.done $0x0  }
0xa4: {  	s25 =	simm.s32 $0x1B8E;
	s24 =	sld [smem:$0x3FFE];
	[sflag:s23] =	ssyncadd.s32 $0xFFFFFFFF  }
0xa5: {  	s26 =	simm.s32 $execute0_lowered;
	[smem:$0x3FD2] =	sst s25  }
0xa6: {  	s5 =	sshll.u32 s26, $0x1;
	_ =	strace $0x80000046;
	[dreg:$0x1] =	wrdreg $0xFFFFFFFF  }
0xa7: {  	s28 =	simm.s32 $_size_execute0_lowered;
	s3 =	sadd.s32 s3, s5;
	[dreg:$0x0] =	wrdreg $0x0  }
0xa8: {  	s5 =	sshll.u32 s28, $0x1;
	[dreg:$0x2] =	wrdreg s3  }
0xa9: {  	[dreg:$0x3] =	wrdreg s5  }
0xaa: {  	[dreg:$0x4] =	wrdreg $0xC0  }
0xab: {  	_ =	task [dreg:s7], $0x5FFFF  }
0xac: {  	[dreg:$0x1] =	wrdreg $0xFFFFFFFF  }
0xad: {  	[dreg:$0x0] =	wrdreg $0x60  }
0xae: {  	[dreg:$0x2] =	wrdreg s2  }
0xaf: {  	[dreg:$0x3] =	wrdreg s24  }
0xb0: {  	[dreg:$0x4] =	wrdreg $0x9  }
0xb1: {  	_ =	task.clear_ibuf [dreg:s7], $0x5FFFF;
	_ =	strace $0x90000046  }
0xb2: {  	s29 =	simm.s32 $0x9;
	_ =	strace $0x80000048  }
0xb3: {  	_ =	swait.ge [sflag:s29], $0x1  }
0xb4: {  	[sflag:s29] =	ssyncadd.s32 $0xFFFFFFFF  }
0xb5: {  	_ =	strace $0x90000048  }
0xb6: {  	_ =	sfence  }
0xb7: {  	s30 =	sld [smem:$0x0];
	_ =	sdelay $0x2  }
0xb8: {  	s31 =	sshll.u32 s1, $0xD;
	s1 =	sshrl.u32 s1, $0x2  }
0xb9: {  	s3 =	sand.u32 $0x4000, s31;
	s1 =	sadd.s32 s1, s30  }
0xba: {  	s0 =	sor.u32 s3, s0;
	s1 =	sshll.u32 s1, $0x11  }
0xbb: {  	s0 =	sor.u32 s1, s0  }
0xbc: {  	s0 =	sadd.s32 $0x8F2B, s0  }
0xbd: {  	[sflag:s0] =	ssyncadd.remote.s32 $0x1  }
0xbe: {  	_ =	sfence.sel $0xFFFF  }
0xbf: {  	[dreg:$0x0] =	wrdreg $0xFFFFFFFF;
	(pc) =	sbr.abs _section_cstart, $3  }
0xc0: {  	[dreg:$0x1] =	wrdreg $0xFFFFFFFF  }
0xc1: {  	_ =	task.clear_ibuf [dreg:s7], $0x2FFFF;
	_ =	strace $0x9FFFFFFF  }
0xc2: {  	(tm) =	ssettm $0x7FFFFFFF  }
0xc3: {  	_ =	shalt  }
tec
execute0_lowered:
.L_overlay_start_1:
0x0: {  	(tag) =	ssettag $0x1  }
0x1: {  	s3 =	rddreg [dreg:$0x0]  }
0x2: {  	s4 =	rddreg [dreg:$0x1];
	s1 =	stileid.u32  }
0x3: {  	s0 =	rddreg [dreg:$0x2];
	s5 =	srdreg.scid;
	s2 =	simm.s32 $0x0  }
0x4: {  	s8 =	simm.s32 $0x10;
	s9 =	simm.s32 $0x0;
	s6 =	sshll.u32 s1, $0x1  }
0x5: {  	s5 =	sand.u32 $0x1, s5;
	[smem:$0x7FF] =	sst s2;
	s6 =	sand.u32 $0x2, s6  }
0x6: {  	s7 =	sshll.u32 s1, $0xB;
	s6 =	sor.u32 s5, s6;
	s5 =	ssub.s32 $0x2, s5  }
0x7: {  	s7 =	sand.u32 $0x7000, s7;
	s6 =	sshll.u32 s6, $0x1;
	s31 =	sshrl.u32 s5, $0x1  }
0x8: {  	_ =	strace $0x80000047;
	s6 =	sor.u32 s7, s6;
	s5 =	ssub.s32 s5, s31  }
0x9: {  	s7 =	simm.s32 $0x1;
	s4 =	sadd.s32 s6, s4;
	s3 =	sadd.s32 s3, s6  }
0xa: {  	s5 =	smax.u32 s5, $0x1;
	s6 =	simm.s32 $0x40;
	s4 =	sadd.s32 $0x400, s4  }
.LBB2_1:
0xb: {  	[tilespmem:s2], [sflag:$0x1] =	stream.strided.gather [hbm4b:s3+s8], $0x2000, s6, s8, $0x38;
	[tilespmem:$0x6000] =	vst v63  }
0xc: {  	_ =	swait.ge [sflag:s7], $0x2000  }
0xd: {  	[sflag:s7] =	ssyncset.done $0x0  }
0xe: {  	[sflag:s7] =	ssyncadd.s32 $0xFFFFE000  }
0xf: {  	v1 =	vld [tilespmem:s8+$0xFFFFFFF0];
	_ =	sdelay $0x4  }
0x10: {  	vm0 =	vlt.f32 v1, $0.0e+00;
	vm1 =	vgt.f32 v1, $0.0e+00  }
0x11: {  	v0 =	vimm.f32 $0.0e+00;
	vm0 =	vmor vm1, vm0  }
0x12: {  	v2 =	vimm.s32 $0xFFFFFFFF;
	s14 =	simm.s32 $0x2010;
	v1 =	vsel vm0, v1, v0  }
0x13: {  	s15 =	simm.s32 $0x4010;
	v3 =	vsel vm0, s2, v2;
	[tilespmem:s14+$0xFFFFFFF0] =	vst v1  }
0x14: {  	[tilespmem:s15+$0xFFFFFFF0] =	vst v3  }
0x15: {  	v2 =	vld [tilespmem:s8+$0x0];
	_ =	sdelay $0x4  }
0x16: {  	vm14 =	vlt.f32 v2, $0.0e+00;
	vm15 =	vgt.f32 v2, $0.0e+00  }
0x17: {  	s16 =	simm.s32 $0x2;
	vm0 =	vmor vm15, vm14  }
0x18: {  	s10 =	simm.s32 $0x1;
	s13 =	simm.s32 $0x5FF0;
	s12 =	simm.s32 $0x1FF0;
	v2 =	vsel vm0, v2, v1  }
0x19: {  	s11 =	simm.s32 $0x1FF;
	s17 =	simm.s32 $0x10;
	v3 =	vsel vm0, s10, v3;
	s10 =	simm.s32 $0x3FF0;
	[tilespmem:s14+$0x0] =	vst v2  }
.LBB2_2:
0x1a: {  	[tilespmem:s15+$0x0] =	vst v3;
	s17 =	sadd.s32 $0x20, s17;
	s14 =	sadd.s32 $0x20, s14;
	s15 =	sadd.s32 $0x20, s15;
	v1 =	vimm.s32 $0x200  }
0x1b: {  	p0 =	slt.u32 s16, $0x1FE;
	s18 =	smov.u32 s16;
	s16 =	sadd.s32 $0x2, s16;
	v4 =	vld [tilespmem:s17+$0xFFFFFFF0]  }
0x1c: {  	_ =	sdelay $0x3  }
0x1d: {  	vm0 =	vlt.f32 v4, $0.0e+00;
	vm1 =	vgt.f32 v4, $0.0e+00  }
0x1e: {  	vm0 =	vmor vm1, vm0  }
0x1f: {  	v2 =	vsel vm0, v4, v2  }
0x20: {  	v3 =	vsel vm0, s18, v3;
	[tilespmem:s14+$0xFFFFFFF0] =	vst v2  }
0x21: {  	[tilespmem:s15+$0xFFFFFFF0] =	vst v3  }
0x22: {  	v4 =	vld [tilespmem:s17+$0x0];
	_ =	sdelay $0x3  }
.Ltmp0:
0x23: {  	(pc) =	sbr.rel @p0 .LBB2_2-.Ltmp0, $4  }
0x24: {  	vm0 =	vlt.f32 v4, $0.0e+00;
	vm1 =	vgt.f32 v4, $0.0e+00  }
0x25: {  	s18 =	sadd.s32 $0x1, s18;
	vm0 =	vmor vm1, vm0  }
0x26: {  	v2 =	vsel vm0, v4, v2;
	v3 =	vsel vm0, s18, v3  }
0x27: {  	[tilespmem:s14+$0x0] =	vst v2  }
0x28: {  	[tilespmem:s15+$0x0] =	vst v3  }
0x29: {  	v2 =	vld [tilespmem:s12+$0x0];
	_ =	sdelay $0x1  }
0x2a: {  	v3 =	vld [tilespmem:s13+$0x0];
	_ =	sdelay $0x2  }
0x2b: {  	vm0 =	vlt.f32 v2, $0.0e+00;
	vm1 =	vgt.f32 v2, $0.0e+00  }
0x2c: {  	vm0 =	vmor vm1, vm0  }
0x2d: {  	v4 =	vxor.u32 $0xFFFFFFFF, v3;
	v1 =	vsel vm0, s11, v1  }
0x2e: {  	v5 =	vadd.s32 v4, v1  }
0x2f: {  	v6 =	vadd.s32 $0xFFFFFFFF, v5  }
0x30: {  	vm7 =	vgt.s32 v6, $0x1  }
0x31: {  	v6 =	vnsel vm7, $0x1, v6  }
0x32: {  	v6 =	vcvt.s32.f32 v6;
	_ =	sdelay $0x1  }
0x33: {  	(erf) = vrcp.f32 v6;
	_ =	sdelay $0x5  }
0x34: {  	v62 =	vld [tilespmem:s10+$0x0]  }
0x35: {  	v4 =	vadd.s32 s11, v4  }
0x36: {  	v4 =	vcvt.s32.f32 v4  }
0x37: {  	v7 =	vpop (erf)  }
0x38: {  	v8 =	vsel vm0, v2, v0;
	v0 =	vmul.f32 v4, v7  }
0x39: {  	vm8 =	vgt.s32 v5, $0x1;
	v4 =	vsub.f32 v8, v62  }
0x3a: {  	v0 =	vnsel vm8, $0x0, v0  }
0x3b: {  	v0 =	vmul.f32 v0, v4  }
0x3c: {  	vm9 =	vlt.s32 v3, $0x0  }
0x3d: {  	vm0 =	vmor vm0, vm9;
	vm2 =	vgt.s32 v1, $0x1FF;
	v0 =	vadd.f32 v0, v62  }
0x3e: {  	vm0 =	vmor vm0, vm2  }
0x3f: {  	v3 =	vld [tilespmem:s12+$0xFFFFFFF0];
	v0 =	vsel vm0, v2, v0  }
0x40: {  	[tilespmem:s12+$0x0] =	vst v0  }
0x41: {  	v4 =	vld [tilespmem:s13+$0xFFFFFFF0];
	_ =	sdelay $0x2  }
0x42: {  	vm10 =	vlt.f32 v3, $0.0e+00;
	vm11 =	vgt.f32 v3, $0.0e+00  }
0x43: {  	s31 =	simm.s32 $0x1FE;
	vm0 =	vmor vm11, vm10  }
0x44: {  	v0 =	vsel vm0, s31, v1;
	v1 =	vxor.u32 $0xFFFFFFFF, v4  }
0x45: {  	v5 =	vadd.s32 v1, v0  }
0x46: {  	v2 =	vadd.s32 $0xFFFFFFFF, v5  }
0x47: {  	vm12 =	vgt.s32 v2, $0x1  }
0x48: {  	v2 =	vnsel vm12, $0x1, v2  }
0x49: {  	v2 =	vcvt.s32.f32 v2;
	_ =	sdelay $0x1  }
0x4a: {  	(erf) = vrcp.f32 v2;
	_ =	sdelay $0x5  }
0x4b: {  	v63 =	vld [tilespmem:s10+$0xFFFFFFF0]  }
0x4c: {  	v1 =	vadd.s32 s31, v1  }
0x4d: {  	v1 =	vcvt.s32.f32 v1  }
0x4e: {  	v2 =	vpop (erf)  }
0x4f: {  	v1 =	vmul.f32 v1, v2;
	v2 =	vsel vm0, v3, v8  }
0x50: {  	vm13 =	vgt.s32 v5, $0x1;
	v5 =	vsub.f32 v2, v63  }
0x51: {  	v1 =	vnsel vm13, $0x0, v1  }
0x52: {  	v1 =	vmul.f32 v1, v5  }
0x53: {  	vm14 =	vlt.s32 v4, $0x0  }
0x54: {  	vm15 =	vgt.s32 v0, $0x1FF;
	vm0 =	vmor vm0, vm14;
	v4 =	vadd.f32 v1, v63  }
0x55: {  	s13 =	simm.s32 $0x1FD0;
	vm0 =	vmor vm0, vm15  }
0x56: {  	s15 =	simm.s32 $0x2;
	s14 =	simm.s32 $0x5FD0;
	v1 =	vld [tilespmem:s13+$0x0];
	v3 =	vsel vm0, v3, v4  }
.LBB2_4:
0x57: {  	s15 =	sadd.s32 $0x2, s15;
	[tilespmem:s12+$0xFFFFFFF0] =	vst v3;
	s11 =	sadd.s32 $0xFFFFFFFE, s11;
	s10 =	sadd.s32 $0xFFFFFFE0, s10  }
0x58: {  	s12 =	smov.u32 s13;
	p0 =	slt.u32 s15, $0x1FE;
	v3 =	vld [tilespmem:s14+$0x0];
	_ =	sdelay $0x2  }
0x59: {  	vm0 =	vlt.f32 v1, $0.0e+00;
	vm1 =	vgt.f32 v1, $0.0e+00  }
0x5a: {  	vm0 =	vmor vm1, vm0  }
0x5b: {  	v2 =	vsel vm0, v1, v2;
	v0 =	vsel vm0, s11, v0;
	v4 =	vxor.u32 $0xFFFFFFFF, v3  }
0x5c: {  	vm1 =	vlt.s32 v3, $0x0;
	v5 =	vadd.s32 v4, v0;
	v4 =	vadd.s32 s11, v4  }
0x5d: {  	vm2 =	vgt.s32 v0, $0x1FF;
	vm0 =	vmor vm0, vm1;
	v3 =	vadd.s32 $0xFFFFFFFF, v5  }
0x5e: {  	vm0 =	vmor vm0, vm2;
	vm1 =	vgt.s32 v3, $0x1  }
0x5f: {  	v3 =	vnsel vm1, $0x1, v3  }
0x60: {  	v3 =	vcvt.s32.f32 v3;
	_ =	sdelay $0x1  }
0x61: {  	(erf) = vrcp.f32 v3;
	_ =	sdelay $0x5  }
0x62: {  	v3 =	vld [tilespmem:s10+$0x0];
	_ =	sdelay $0x1  }
0x63: {  	v4 =	vcvt.s32.f32 v4  }
0x64: {  	v6 =	vpop (erf)  }
0x65: {  	v4 =	vmul.f32 v4, v6  }
0x66: {  	vm1 =	vgt.s32 v5, $0x1;
	v5 =	vsub.f32 v2, v3  }
0x67: {  	v4 =	vnsel vm1, $0x0, v4  }
0x68: {  	v4 =	vmul.f32 v4, v5;
	_ =	sdelay $0x1  }
0x69: {  	v3 =	vadd.f32 v4, v3;
	_ =	sdelay $0x1  }
0x6a: {  	v1 =	vsel vm0, v1, v3;
	v3 =	vld [tilespmem:s13+$0xFFFFFFF0]  }
0x6b: {  	[tilespmem:s13+$0x0] =	vst v1  }
0x6c: {  	v1 =	vld [tilespmem:s14+$0xFFFFFFF0];
	_ =	sdelay $0x2  }
0x6d: {  	vm0 =	vlt.f32 v3, $0.0e+00;
	vm1 =	vgt.f32 v3, $0.0e+00  }
0x6e: {  	s16 =	sadd.s32 $0xFFFFFFFF, s11;
	vm1 =	vmor vm1, vm0  }
0x6f: {  	v0 =	vsel vm1, s16, v0;
	v4 =	vxor.u32 $0xFFFFFFFF, v1;
	vm0 =	vlt.s32 v1, $0x0  }
0x70: {  	v1 =	vadd.s32 v4, v0;
	v4 =	vadd.s32 s16, v4;
	vm0 =	vmor vm1, vm0  }
0x71: {  	v5 =	vadd.s32 $0xFFFFFFFF, v1  }
0x72: {  	vm2 =	vgt.s32 v5, $0x1  }
0x73: {  	v5 =	vnsel vm2, $0x1, v5  }
0x74: {  	v5 =	vcvt.s32.f32 v5;
	_ =	sdelay $0x1  }
0x75: {  	(erf) = vrcp.f32 v5;
	_ =	sdelay $0x5  }
0x76: {  	v5 =	vld [tilespmem:s10+$0xFFFFFFF0];
	_ =	sdelay $0x1  }
0x77: {  	v4 =	vcvt.s32.f32 v4  }
0x78: {  	v6 =	vpop (erf)  }
0x79: {  	v2 =	vsel vm1, v3, v2;
	v4 =	vmul.f32 v4, v6  }
0x7a: {  	vm1 =	vgt.s32 v1, $0x1;
	v1 =	vsub.f32 v2, v5  }
0x7b: {  	v4 =	vnsel vm1, $0x0, v4  }
.Ltmp1:
0x7c: {  	v1 =	vmul.f32 v4, v1;
	(pc) =	sbr.rel @p0 .LBB2_4-.Ltmp1, $4  }
0x7d: {  	_ = 	snop  }
0x7e: {  	vm1 =	vgt.s32 v0, $0x1FF;
	v4 =	vadd.f32 v1, v5  }
0x7f: {  	s13 =	sadd.s32 $0xFFFFFFE0, s13;
	vm0 =	vmor vm0, vm1  }
0x80: {  	s14 =	sadd.s32 $0xFFFFFFE0, s14;
	v1 =	vld [tilespmem:s13+$0x0];
	v3 =	vsel vm0, v3, v4  }
0x81: {  	[tilespmem:s12+$0xFFFFFFF0] =	vst v3  }
0x82: {  	v3 =	vld [tilespmem:s14+$0x0];
	_ =	sdelay $0x2  }
0x83: {  	vm0 =	vlt.f32 v1, $0.0e+00;
	vm1 =	vgt.f32 v1, $0.0e+00  }
0x84: {  	s11 =	sadd.s32 $0xFFFFFFFE, s11;
	vm0 =	vmor vm1, vm0  }
0x85: {  	v0 =	vsel vm0, s11, v0;
	v4 =	vxor.u32 $0xFFFFFFFF, v3  }
0x86: {  	v5 =	vadd.s32 v4, v0  }
0x87: {  	v6 =	vadd.s32 $0xFFFFFFFF, v5  }
0x88: {  	vm7 =	vgt.s32 v6, $0x1  }
0x89: {  	v6 =	vnsel vm7, $0x1, v6  }
0x8a: {  	v6 =	vcvt.s32.f32 v6;
	_ =	sdelay $0x1  }
0x8b: {  	(erf) = vrcp.f32 v6;
	_ =	sdelay $0x4  }
0x8c: {  	s10 =	sadd.s32 $0xFFFFFFE0, s10  }
0x8d: {  	v52 =	vld [tilespmem:s10+$0x0]  }
0x8e: {  	v4 =	vadd.s32 s11, v4  }
0x8f: {  	v4 =	vcvt.s32.f32 v4  }
0x90: {  	v7 =	vpop (erf)  }
0x91: {  	v2 =	vsel vm0, v1, v2;
	v4 =	vmul.f32 v4, v7  }
0x92: {  	v53 =	vsub.f32 v2, v52;
	vm8 =	vgt.s32 v5, $0x1  }
0x93: {  	v4 =	vnsel vm8, $0x0, v4  }
0x94: {  	v4 =	vmul.f32 v4, v53  }
0x95: {  	vm9 =	vlt.s32 v3, $0x0  }
0x96: {  	vm2 =	vgt.s32 v0, $0x1FF;
	vm0 =	vmor vm0, vm9;
	v54 =	vadd.f32 v4, v52  }
0x97: {  	vm0 =	vmor vm0, vm2  }
0x98: {  	v56 =	vld [tilespmem:s13+$0xFFFFFFF0];
	v55 =	vsel vm0, v1, v54  }
0x99: {  	[tilespmem:s13+$0x0] =	vst v55  }
0x9a: {  	v1 =	vld [tilespmem:s14+$0xFFFFFFF0];
	_ =	sdelay $0x2  }
0x9b: {  	vm10 =	vlt.f32 v56, $0.0e+00;
	vm11 =	vgt.f32 v56, $0.0e+00  }
0x9c: {  	s11 =	sadd.s32 $0xFFFFFFFF, s11;
	vm0 =	vmor vm11, vm10  }
0x9d: {  	v0 =	vsel vm0, s11, v0;
	v57 =	vxor.u32 $0xFFFFFFFF, v1  }
0x9e: {  	v58 =	vadd.s32 v57, v0  }
0x9f: {  	v59 =	vadd.s32 $0xFFFFFFFF, v58  }
0xa0: {  	vm12 =	vgt.s32 v59, $0x1  }
0xa1: {  	v6 =	vnsel vm12, $0x1, v59  }
0xa2: {  	v6 =	vcvt.s32.f32 v6;
	_ =	sdelay $0x1  }
0xa3: {  	(erf) = vrcp.f32 v6;
	_ =	sdelay $0x5  }
0xa4: {  	v60 =	vld [tilespmem:s10+$0xFFFFFFF0]  }
0xa5: {  	v4 =	vadd.s32 s11, v57  }
0xa6: {  	v4 =	vcvt.s32.f32 v4  }
0xa7: {  	v61 =	vpop (erf)  }
0xa8: {  	v2 =	vsel vm0, v56, v2;
	v4 =	vmul.f32 v4, v61  }
0xa9: {  	v2 =	vsub.f32 v2, v60;
	vm13 =	vgt.s32 v58, $0x1  }
0xaa: {  	v4 =	vnsel vm13, $0x0, v4  }
0xab: {  	v2 =	vmul.f32 v4, v2  }
0xac: {  	vm14 =	vlt.s32 v1, $0x0  }
0xad: {  	vm15 =	vgt.s32 v0, $0x1FF;
	vm0 =	vmor vm0, vm14;
	v62 =	vadd.f32 v2, v60  }
0xae: {  	s9 =	sadd.s32 $0x1, s9;
	vm0 =	vmor vm0, vm15  }
0xaf: {  	p0 =	sne.s32 s9, s5;
	v63 =	vsel vm0, v56, v62  }
.Ltmp2:
0xb0: {  	[tilespmem:s13+$0xFFFFFFF0] =	vst v63;
	(pc) =	sbr.rel @p0 .LBB2_1-.Ltmp2, $4  }
0xb1: {  	[hbm4b:s4+s8] =	stream.strided.scatter [tilespmem:s2], [sflag:$0x1], $0x2000, s6, s8, $0x38;
	[tilespmem:$0x6000] =	vst v63  }
0xb2: {  	_ =	swait.ge [sflag:s7], $0x2000  }
0xb3: {  	[sflag:s7] =	ssyncset.done $0x0  }
0xb4: {  	[sflag:s7] =	ssyncadd.s32 $0xFFFFE000  }
0xb5: {  	_ =	sfence.sel $0x180000  }
0xb6: {  	[bflag:$0x0] =	sbarrier.arrive $0xFFFF  }
0xb7: {  	p0 =	sne.s32 s1, $0x0;
	_ =	strace $0x90000047  }
0xb8: {  	s0 =	sadd.s32 @!p0 $0x100000, s0;
	[bflag:$0x2] =	sbarrier.arrive $0xFFFF  }
0xb9: {  	[sflag:s0] =	ssyncadd.tile.s32 @!p0 $0x1;
	_ =	shalt  }
.Lfunc_end2:
_tile_overlayer_lowered:
.L_overlay_start_2:
0xba: {  	(tag) =	ssettag $0x2  }
0xbb: {  	s0 =	rddreg [dreg:$0x0];
	s2 =	stileid.u32  }
0xbc: {  	s1 =	rddreg [dreg:$0x1];
	p0 =	sne.s32 s2, $0x0  }
0xbd: {  	s3 =	rddreg [dreg:$0x2];
	[bflag:$0x3] =	sbarrier.arrive $0xFFFF;
	s2 =	simm.s32 @!p0 $0x1C01  }
0xbe: {  	[timem:s3], [sflag:s2] =	dma.local @!p0 [hbm:s0], s1  }
0xbf: {  	s0 =	simm.s32 @!p0 $0x1  }
0xc0: {  	_ =	swait.ge @!p0 [sflag:s0], s1  }
0xc1: {  	s1 =	ssub.s32 @!p0 $0x0, s1;
	[sflag:s0] =	ssyncset.done @!p0 $0x0  }
0xc2: {  	[sflag:s0] =	ssyncadd.s32 @!p0 s1  }
0xc3: {  	[bflag:$0x3] =	sbarrier.arrive $0xFFFF  }
0xc4: {  	_ =	shalt  }

</sc_bundles>
